<compile_context>
chip_gen: v7x
topology: tpu7x:2x2x1
jax: 0.10.2.dev20260603
libtpu: 0.0.44.dev20260713+nightly
codegen_flags: <defaults>
</compile_context>

<pallas_src>
import jax
import jax.numpy as jnp
from jax import lax
from jax.experimental import pallas as pl
from jax.experimental.pallas import tpu as pltpu
from jax.experimental.pallas import tpu_sc as plsc

VOCAB = 100000
DIM = 128
B = 1024
L = 200

_INFO = plsc.get_sparse_core_info()
_NC = _INFO.num_cores
_NS = _INFO.num_subcores
_NW = _NC * _NS

_TOTAL = B * L
_PER_W = _TOTAL // _NW
_CHUNK = 128
_NCHUNK = _PER_W // _CHUNK
_GRP = 1
_NGRP = _NCHUNK // _GRP
_NSET = 3
_GROWS = _GRP * _CHUNK


def _gather_body(table_hbm, idx_hbm, out_hbm, idx_v, rows_v, sp, gsem, csem, osem):
    cid = lax.axis_index("c")
    sid = lax.axis_index("s")
    wid = sid * _NC + cid
    chunk0 = wid * _NCHUNK

    pltpu.sync_copy(idx_hbm.at[wid], idx_v)

    def gather_start(g, s):
        for c in range(_GRP):
            pltpu.async_copy(
                table_hbm.at[idx_v.at[g * _GRP + c]],
                rows_v.at[s].at[pl.ds(c * _CHUNK, _CHUNK)],
                gsem.at[s],
            )

    def gather_wait(s):
        pltpu.make_async_copy(
            table_hbm.at[idx_v.at[0]], rows_v.at[s], gsem.at[s]
        ).wait()

    def stage_start(s):
        pltpu.async_copy(rows_v.at[s], sp.at[sid].at[s], csem.at[s])

    def stage_wait(s):
        pltpu.make_async_copy(rows_v.at[s], sp.at[sid].at[s], csem.at[s]).wait()

    def out_start(g, s):
        row_base = (chunk0 + g * _GRP) * _CHUNK
        pltpu.async_copy(
            sp.at[sid].at[s], out_hbm.at[pl.ds(row_base, _GROWS)], osem.at[s]
        )

    def out_wait(s):
        pltpu.make_async_copy(
            sp.at[sid].at[0], out_hbm.at[pl.ds(0, _GROWS)], osem.at[s]
        ).wait()

    gather_start(0, 0)
    gather_start(1, 1)

    def body(g, carry):
        s = g % _NSET
        o = (g + 2) % _NSET

        @pl.when(g >= 1)
        def _():
            stage_wait(o)
            out_start(g - 1, o)

        @pl.when(g < _NGRP - 2)
        def _():
            gather_start(g + 2, o)

        gather_wait(s)

        @pl.when(g >= _NSET)
        def _():
            out_wait(s)

        stage_start(s)
        return carry

    lax.fori_loop(0, _NGRP, body, 0)

    last = _NGRP - 1
    stage_wait(last % _NSET)
    out_start(last, last % _NSET)
    out_wait((last - 2) % _NSET)
    out_wait((last - 1) % _NSET)
    out_wait(last % _NSET)


@jax.jit
def kernel(word_ids, emb_weight):
    idx3d = word_ids.reshape(_NW, _NCHUNK, _CHUNK).astype(jnp.int32)
    mesh = plsc.VectorSubcoreMesh(core_axis_name="c", subcore_axis_name="s")
    out = pl.kernel(
        _gather_body,
        out_type=jax.ShapeDtypeStruct((_TOTAL, DIM), jnp.float32),
        mesh=mesh,
        scratch_types=[
            pltpu.VMEM((_NCHUNK, _CHUNK), jnp.int32),
            pltpu.VMEM((_NSET, _GROWS, DIM), jnp.float32),
            pltpu.VMEM_SHARED((_NS, _NSET, _GROWS, DIM), jnp.float32),
            pltpu.SemaphoreType.DMA((_NSET,)),
            pltpu.SemaphoreType.DMA((_NSET,)),
            pltpu.SemaphoreType.DMA((_NSET,)),
        ],
    )(emb_weight, idx3d)
    return out.reshape(B, L, DIM)

# --- scband reference (transcript-rebuilt; emitter-appended) ---
"""Pipeline reference for scband-glove-text-encoder-30520037605862 (READ-ONLY COPY).

The authoritative reference and input builder live on the scoring server;
editing this copy changes nothing except your own understanding.
"""

import jax, jax.numpy as jnp
import numpy as np

VOCAB = 100000
DIM = 128
B = 1024
L = 200

def setup_inputs(seed: int = 0) -> dict:
    key = jax.random.key(seed)
    k1, k2 = jax.random.split(key)
    word_ids = jax.random.randint(k1, (B, L), 0, VOCAB, dtype=jnp.int64 if jax.config.jax_enable_x64 else jnp.int32)
    emb_weight = jax.random.normal(k2, (VOCAB, DIM), dtype=jnp.float32)
    return {"word_ids": word_ids, "emb_weight": emb_weight}

def reference(word_ids, emb_weight):
    # nn.Embedding forward: gather rows of the (frozen) GloVe table
    # (B, L) -> (B, L, dim)
    return jnp.take(emb_weight, word_ids, axis=0)

if __name__ == "__main__":
    import jax
    _d = setup_inputs()
    print(jax.jit(kernel)(*tuple(_d.values())))

</pallas_src>

<mosaic_0001>
#map = affine_map<(d0, d1) -> (0, 0)>
#map1 = affine_map<(d0, d1) -> (0, 0, 0)>
module attributes {stable_mosaic.version = 14 : i64} {
  func.func @_gather_body(%arg0: i32, %arg1: i32, %arg2: memref<100000x128xf32, #tpu.memory_space<hbm>>, %arg3: memref<32x50x128xi32, #tpu.memory_space<hbm>>, %arg4: memref<204800x128xf32, #tpu.memory_space<hbm>>, %arg5: memref<50x128xi32, #tpu.memory_space<vmem>>, %arg6: memref<3x128x128xf32, #tpu.memory_space<vmem>>, %arg7: memref<16x3x128x128xf32, #tpu.memory_space<vmem_shared>>, %arg8: memref<3x!tpu.dma_semaphore, #tpu.memory_space<semaphore_mem>>, %arg9: memref<3x!tpu.dma_semaphore, #tpu.memory_space<semaphore_mem>>, %arg10: memref<3x!tpu.dma_semaphore, #tpu.memory_space<semaphore_mem>>) attributes {dimension_semantics = [#tpu.dimension_semantics<core_parallel>, #tpu.dimension_semantics<subcore_parallel>], iteration_bounds = array<i64: 2, 16>, scalar_prefetch = 0 : i64, scratch_operands = 6 : i64, tpu.core_type = #tpu.core_type<sc_vector_subcore>, window_params = [{transform_indices = #map}, {transform_indices = #map1}, {transform_indices = #map}]} {
    %mul3A = arith.constant 2 : i32
    %mul3A_0 = arith.muli %arg1, %mul3A : i32
    %add3A = arith.addi %mul3A_0, %arg0 : i32
    %mul3A_1 = arith.constant 50 : i32
    %mul3A_2 = arith.muli %add3A, %mul3A_1 : i32
    "tpu.region"() ({
      %run_scoped3A = tpu.sem_alloc : memref<!tpu.dma_semaphore, #tpu.memory_space<semaphore_mem>>
      %dma_start3A_140 = arith.constant 0 : i32
      %dma_start3A_141 = arith.constant 0 : i32
      %dma_start3A_142 = tpu.memref_slice %arg3[%add3A, %dma_start3A_140, %dma_start3A_141] : memref<32x50x128xi32, #tpu.memory_space<hbm>> -> memref<1x50x128xi32, #tpu.memory_space<hbm>>
      %dma_start3A_143 = tpu.memref_squeeze %dma_start3A_142 : memref<1x50x128xi32, #tpu.memory_space<hbm>> -> memref<50x128xi32, #tpu.memory_space<hbm>>
      %dma_start3A_144 = arith.constant 0 : i32
      %dma_start3A_145 = arith.constant 0 : i32
      %dma_start3A_146 = tpu.memref_slice %arg3[%add3A, %dma_start3A_144, %dma_start3A_145] : memref<32x50x128xi32, #tpu.memory_space<hbm>> -> memref<1x50x128xi32, #tpu.memory_space<hbm>>
      %dma_start3A_147 = tpu.memref_squeeze %dma_start3A_146 : memref<1x50x128xi32, #tpu.memory_space<hbm>> -> memref<50x128xi32, #tpu.memory_space<hbm>>
      tpu.enqueue_dma source(%dma_start3A_147 : memref<50x128xi32, #tpu.memory_space<hbm>>) target(%arg5 : memref<50x128xi32, #tpu.memory_space<vmem>>) target_semaphore(%run_scoped3A : memref<!tpu.dma_semaphore, #tpu.memory_space<semaphore_mem>>)
      %dma_wait3A_148 = arith.constant 0 : i32
      %dma_wait3A_149 = arith.constant 0 : i32
      %dma_wait3A_150 = tpu.memref_slice %arg3[%add3A, %dma_wait3A_148, %dma_wait3A_149] : memref<32x50x128xi32, #tpu.memory_space<hbm>> -> memref<1x50x128xi32, #tpu.memory_space<hbm>>
      %dma_wait3A_151 = tpu.memref_squeeze %dma_wait3A_150 : memref<1x50x128xi32, #tpu.memory_space<hbm>> -> memref<50x128xi32, #tpu.memory_space<hbm>>
      %dma_wait3A_152 = arith.constant 0 : i32
      %dma_wait3A_153 = arith.constant 0 : i32
      %dma_wait3A_154 = tpu.memref_slice %arg3[%add3A, %dma_wait3A_152, %dma_wait3A_153] : memref<32x50x128xi32, #tpu.memory_space<hbm>> -> memref<1x50x128xi32, #tpu.memory_space<hbm>>
      %dma_wait3A_155 = tpu.memref_squeeze %dma_wait3A_154 : memref<1x50x128xi32, #tpu.memory_space<hbm>> -> memref<50x128xi32, #tpu.memory_space<hbm>>
      tpu.wait_dma2 semaphore(%run_scoped3A : memref<!tpu.dma_semaphore, #tpu.memory_space<semaphore_mem>>) src(%dma_wait3A_155 : memref<50x128xi32, #tpu.memory_space<hbm>>) dst(%arg5 : memref<50x128xi32, #tpu.memory_space<vmem>>)
      tpu.yield
    }) : () -> ()
    %dma_start3A = arith.constant 0 : i32
    %dma_start3A_3 = arith.constant 0 : i32
    %dma_start3A_4 = arith.constant 0 : i32
    %dma_start3A_5 = arith.constant 0 : i32
    %dma_start3A_6 = arith.constant 0 : i32
    %dma_start3A_7 = tpu.memref_slice %arg6[%dma_start3A_3, %dma_start3A_5, %dma_start3A_6] : memref<3x128x128xf32, #tpu.memory_space<vmem>> -> memref<1x128x128xf32, #tpu.memory_space<vmem>>
    %dma_start3A_8 = tpu.memref_squeeze %dma_start3A_7 : memref<1x128x128xf32, #tpu.memory_space<vmem>> -> memref<128x128xf32, #tpu.memory_space<vmem>>
    %dma_start3A_9 = arith.constant 0 : i32
    %dma_start3A_10 = arith.constant 0 : i32
    %dma_start3A_11 = tpu.memref_slice %dma_start3A_8[%dma_start3A_9, %dma_start3A_10] : memref<128x128xf32, #tpu.memory_space<vmem>> -> memref<128x128xf32, #tpu.memory_space<vmem>>
    %dma_start3A_12 = arith.constant 0 : i32
    %dma_start3A_13 = tpu.memref_slice %arg5[%dma_start3A, %dma_start3A_12] : memref<50x128xi32, #tpu.memory_space<vmem>> -> memref<1x128xi32, #tpu.memory_space<vmem>>
    %dma_start3A_14 = tpu.memref_squeeze %dma_start3A_13 : memref<1x128xi32, #tpu.memory_space<vmem>> -> memref<128xi32, #tpu.memory_space<vmem>>
    %dma_start3A_15 = arith.constant 0 : i32
    %dma_start3A_16 = arith.constant 0 : i32
    %dma_start3A_17 = tpu.memref_slice %arg2[%dma_start3A_15, %dma_start3A_16] : memref<100000x128xf32, #tpu.memory_space<hbm>> -> memref<100000x128xf32, #tpu.memory_space<hbm>>
    %dma_start3A_18 = tpu.memref_slice %arg8[%dma_start3A_4] : memref<3x!tpu.dma_semaphore, #tpu.memory_space<semaphore_mem>> -> memref<1x!tpu.dma_semaphore, #tpu.memory_space<semaphore_mem>>
    %dma_start3A_19 = tpu.memref_squeeze %dma_start3A_18 : memref<1x!tpu.dma_semaphore, #tpu.memory_space<semaphore_mem>> -> memref<!tpu.dma_semaphore, #tpu.memory_space<semaphore_mem>>
    tpu.enqueue_indirect_dma source(%dma_start3A_17 : memref<100000x128xf32, #tpu.memory_space<hbm>>) target(%dma_start3A_11 : memref<128x128xf32, #tpu.memory_space<vmem>>) offsets(%dma_start3A_14 : memref<128xi32, #tpu.memory_space<vmem>>) semaphore(%dma_start3A_19 : memref<!tpu.dma_semaphore, #tpu.memory_space<semaphore_mem>>)
    %dma_start3A_20 = arith.constant 1 : i32
    %dma_start3A_21 = arith.constant 1 : i32
    %dma_start3A_22 = arith.constant 1 : i32
    %dma_start3A_23 = arith.constant 0 : i32
    %dma_start3A_24 = arith.constant 0 : i32
    %dma_start3A_25 = tpu.memref_slice %arg6[%dma_start3A_21, %dma_start3A_23, %dma_start3A_24] : memref<3x128x128xf32, #tpu.memory_space<vmem>> -> memref<1x128x128xf32, #tpu.memory_space<vmem>>
    %dma_start3A_26 = tpu.memref_squeeze %dma_start3A_25 : memref<1x128x128xf32, #tpu.memory_space<vmem>> -> memref<128x128xf32, #tpu.memory_space<vmem>>
    %dma_start3A_27 = arith.constant 0 : i32
    %dma_start3A_28 = arith.constant 0 : i32
    %dma_start3A_29 = tpu.memref_slice %dma_start3A_26[%dma_start3A_27, %dma_start3A_28] : memref<128x128xf32, #tpu.memory_space<vmem>> -> memref<128x128xf32, #tpu.memory_space<vmem>>
    %dma_start3A_30 = arith.constant 0 : i32
    %dma_start3A_31 = tpu.memref_slice %arg5[%dma_start3A_20, %dma_start3A_30] : memref<50x128xi32, #tpu.memory_space<vmem>> -> memref<1x128xi32, #tpu.memory_space<vmem>>
    %dma_start3A_32 = tpu.memref_squeeze %dma_start3A_31 : memref<1x128xi32, #tpu.memory_space<vmem>> -> memref<128xi32, #tpu.memory_space<vmem>>
    %dma_start3A_33 = arith.constant 0 : i32
    %dma_start3A_34 = arith.constant 0 : i32
    %dma_start3A_35 = tpu.memref_slice %arg2[%dma_start3A_33, %dma_start3A_34] : memref<100000x128xf32, #tpu.memory_space<hbm>> -> memref<100000x128xf32, #tpu.memory_space<hbm>>
    %dma_start3A_36 = tpu.memref_slice %arg8[%dma_start3A_22] : memref<3x!tpu.dma_semaphore, #tpu.memory_space<semaphore_mem>> -> memref<1x!tpu.dma_semaphore, #tpu.memory_space<semaphore_mem>>
    %dma_start3A_37 = tpu.memref_squeeze %dma_start3A_36 : memref<1x!tpu.dma_semaphore, #tpu.memory_space<semaphore_mem>> -> memref<!tpu.dma_semaphore, #tpu.memory_space<semaphore_mem>>
    tpu.enqueue_indirect_dma source(%dma_start3A_35 : memref<100000x128xf32, #tpu.memory_space<hbm>>) target(%dma_start3A_29 : memref<128x128xf32, #tpu.memory_space<vmem>>) offsets(%dma_start3A_32 : memref<128xi32, #tpu.memory_space<vmem>>) semaphore(%dma_start3A_37 : memref<!tpu.dma_semaphore, #tpu.memory_space<semaphore_mem>>)
    %scan3A = arith.constant 0 : i32
    %scan3A_38 = arith.constant 0 : i32
    %scan3A_39 = arith.constant 50 : i32
    %scan3A_40 = arith.addi %scan3A_38, %scan3A_39 : i32
    %scan3A_41 = arith.constant 1 : i32
    scf.for %scan3A_140 = %scan3A_38 to %scan3A_40 step %scan3A_41  : i32 {
      %jit3A = arith.constant 3 : i32
      %eq3A = arith.constant 0 : i32
      %eq3A_141 = arith.cmpi eq, %jit3A, %eq3A : i32
      %jit3A_142 = arith.constant 1 : i32
      %select_n3A = arith.select %eq3A_141, %jit3A_142, %jit3A : i32
      %rem3A = arith.remsi %scan3A_140, %select_n3A : i32
      %ne3A = arith.constant 0 : i32
      %ne3A_143 = arith.cmpi ne, %rem3A, %ne3A : i32
      %lt3A = arith.constant 0 : i32
      %lt3A_144 = arith.cmpi slt, %rem3A, %lt3A : i32
      %lt3A_145 = arith.constant 0 : i32
      %lt3A_146 = arith.cmpi slt, %select_n3A, %lt3A_145 : i32
      %ne3A_147 = arith.xori %lt3A_144, %lt3A_146 : i1
      %and3A = arith.andi %ne3A_147, %ne3A_143 : i1
      %add3A_148 = arith.addi %rem3A, %select_n3A : i32
      %select_n3A_149 = arith.select %and3A, %add3A_148, %rem3A : i32
      %add3A_150 = arith.constant 2 : i32
      %add3A_151 = arith.addi %scan3A_140, %add3A_150 : i32
      %jit3A_152 = arith.constant 3 : i32
      %eq3A_153 = arith.constant 0 : i32
      %eq3A_154 = arith.cmpi eq, %jit3A_152, %eq3A_153 : i32
      %jit3A_155 = arith.constant 1 : i32
      %select_n3A_156 = arith.select %eq3A_154, %jit3A_155, %jit3A_152 : i32
      %rem3A_157 = arith.remsi %add3A_151, %select_n3A_156 : i32
      %ne3A_158 = arith.constant 0 : i32
      %ne3A_159 = arith.cmpi ne, %rem3A_157, %ne3A_158 : i32
      %lt3A_160 = arith.constant 0 : i32
      %lt3A_161 = arith.cmpi slt, %rem3A_157, %lt3A_160 : i32
      %lt3A_162 = arith.constant 0 : i32
      %lt3A_163 = arith.cmpi slt, %select_n3A_156, %lt3A_162 : i32
      %ne3A_164 = arith.xori %lt3A_161, %lt3A_163 : i1
      %and3A_165 = arith.andi %ne3A_164, %ne3A_159 : i1
      %add3A_166 = arith.addi %rem3A_157, %select_n3A_156 : i32
      %select_n3A_167 = arith.select %and3A_165, %add3A_166, %rem3A_157 : i32
      %ge3A = arith.constant 1 : i32
      %ge3A_168 = arith.cmpi sge, %scan3A_140, %ge3A : i32
      %convert_element_type3A = arith.extui %ge3A_168 : i1 to i32
      %cond3A = arith.constant 0 : i32
      %cond3A_169 = arith.cmpi ne, %convert_element_type3A, %cond3A : i32
      scf.if %cond3A_169 {
        %dma_wait3A_221 = arith.constant 0 : i32
        %dma_wait3A_222 = arith.constant 0 : i32
        %dma_wait3A_223 = tpu.memref_slice %arg6[%select_n3A_167, %dma_wait3A_221, %dma_wait3A_222] : memref<3x128x128xf32, #tpu.memory_space<vmem>> -> memref<1x128x128xf32, #tpu.memory_space<vmem>>
        %dma_wait3A_224 = tpu.memref_squeeze %dma_wait3A_223 : memref<1x128x128xf32, #tpu.memory_space<vmem>> -> memref<128x128xf32, #tpu.memory_space<vmem>>
        %dma_wait3A_225 = arith.constant 0 : i32
        %dma_wait3A_226 = arith.constant 0 : i32
        %dma_wait3A_227 = arith.constant 0 : i32
        %dma_wait3A_228 = tpu.memref_slice %arg7[%arg1, %dma_wait3A_225, %dma_wait3A_226, %dma_wait3A_227] : memref<16x3x128x128xf32, #tpu.memory_space<vmem_shared>> -> memref<1x3x128x128xf32, #tpu.memory_space<vmem_shared>>
        %dma_wait3A_229 = tpu.memref_squeeze %dma_wait3A_228 : memref<1x3x128x128xf32, #tpu.memory_space<vmem_shared>> -> memref<3x128x128xf32, #tpu.memory_space<vmem_shared>>
        %dma_wait3A_230 = arith.constant 0 : i32
        %dma_wait3A_231 = arith.constant 0 : i32
        %dma_wait3A_232 = tpu.memref_slice %dma_wait3A_229[%select_n3A_167, %dma_wait3A_230, %dma_wait3A_231] : memref<3x128x128xf32, #tpu.memory_space<vmem_shared>> -> memref<1x128x128xf32, #tpu.memory_space<vmem_shared>>
        %dma_wait3A_233 = tpu.memref_squeeze %dma_wait3A_232 : memref<1x128x128xf32, #tpu.memory_space<vmem_shared>> -> memref<128x128xf32, #tpu.memory_space<vmem_shared>>
        %dma_wait3A_234 = tpu.memref_slice %arg9[%select_n3A_167] : memref<3x!tpu.dma_semaphore, #tpu.memory_space<semaphore_mem>> -> memref<1x!tpu.dma_semaphore, #tpu.memory_space<semaphore_mem>>
        %dma_wait3A_235 = tpu.memref_squeeze %dma_wait3A_234 : memref<1x!tpu.dma_semaphore, #tpu.memory_space<semaphore_mem>> -> memref<!tpu.dma_semaphore, #tpu.memory_space<semaphore_mem>>
        %dma_wait3A_236 = arith.constant 0 : i32
        %dma_wait3A_237 = arith.constant 0 : i32
        %dma_wait3A_238 = arith.constant 0 : i32
        %dma_wait3A_239 = tpu.memref_slice %arg7[%arg1, %dma_wait3A_236, %dma_wait3A_237, %dma_wait3A_238] : memref<16x3x128x128xf32, #tpu.memory_space<vmem_shared>> -> memref<1x3x128x128xf32, #tpu.memory_space<vmem_shared>>
        %dma_wait3A_240 = tpu.memref_squeeze %dma_wait3A_239 : memref<1x3x128x128xf32, #tpu.memory_space<vmem_shared>> -> memref<3x128x128xf32, #tpu.memory_space<vmem_shared>>
        %dma_wait3A_241 = arith.constant 0 : i32
        %dma_wait3A_242 = arith.constant 0 : i32
        %dma_wait3A_243 = tpu.memref_slice %dma_wait3A_240[%select_n3A_167, %dma_wait3A_241, %dma_wait3A_242] : memref<3x128x128xf32, #tpu.memory_space<vmem_shared>> -> memref<1x128x128xf32, #tpu.memory_space<vmem_shared>>
        %dma_wait3A_244 = tpu.memref_squeeze %dma_wait3A_243 : memref<1x128x128xf32, #tpu.memory_space<vmem_shared>> -> memref<128x128xf32, #tpu.memory_space<vmem_shared>>
        %dma_wait3A_245 = arith.constant 0 : i32
        %dma_wait3A_246 = arith.constant 0 : i32
        %dma_wait3A_247 = tpu.memref_slice %arg6[%select_n3A_167, %dma_wait3A_245, %dma_wait3A_246] : memref<3x128x128xf32, #tpu.memory_space<vmem>> -> memref<1x128x128xf32, #tpu.memory_space<vmem>>
        %dma_wait3A_248 = tpu.memref_squeeze %dma_wait3A_247 : memref<1x128x128xf32, #tpu.memory_space<vmem>> -> memref<128x128xf32, #tpu.memory_space<vmem>>
        tpu.wait_dma2 semaphore(%dma_wait3A_235 : memref<!tpu.dma_semaphore, #tpu.memory_space<semaphore_mem>>) src(%dma_wait3A_248 : memref<128x128xf32, #tpu.memory_space<vmem>>) dst(%dma_wait3A_244 : memref<128x128xf32, #tpu.memory_space<vmem_shared>>)
        %sub3A = arith.constant 1 : i32
        %sub3A_249 = arith.subi %scan3A_140, %sub3A : i32
        %mul3A_250 = arith.constant 1 : i32
        %mul3A_251 = arith.muli %sub3A_249, %mul3A_250 : i32
        %add3A_252 = arith.addi %mul3A_2, %mul3A_251 : i32
        %mul3A_253 = arith.constant 128 : i32
        %mul3A_254 = arith.muli %add3A_252, %mul3A_253 : i32
        %dma_start3A_255 = tpu.memref_slice %arg10[%select_n3A_167] : memref<3x!tpu.dma_semaphore, #tpu.memory_space<semaphore_mem>> -> memref<1x!tpu.dma_semaphore, #tpu.memory_space<semaphore_mem>>
        %dma_start3A_256 = tpu.memref_squeeze %dma_start3A_255 : memref<1x!tpu.dma_semaphore, #tpu.memory_space<semaphore_mem>> -> memref<!tpu.dma_semaphore, #tpu.memory_space<semaphore_mem>>
        %dma_start3A_257 = arith.constant 0 : i32
        %dma_start3A_258 = tpu.memref_slice %arg4[%mul3A_254, %dma_start3A_257] : memref<204800x128xf32, #tpu.memory_space<hbm>> -> memref<128x128xf32, #tpu.memory_space<hbm>>
        %dma_start3A_259 = arith.constant 0 : i32
        %dma_start3A_260 = arith.constant 0 : i32
        %dma_start3A_261 = arith.constant 0 : i32
        %dma_start3A_262 = tpu.memref_slice %arg7[%arg1, %dma_start3A_259, %dma_start3A_260, %dma_start3A_261] : memref<16x3x128x128xf32, #tpu.memory_space<vmem_shared>> -> memref<1x3x128x128xf32, #tpu.memory_space<vmem_shared>>
        %dma_start3A_263 = tpu.memref_squeeze %dma_start3A_262 : memref<1x3x128x128xf32, #tpu.memory_space<vmem_shared>> -> memref<3x128x128xf32, #tpu.memory_space<vmem_shared>>
        %dma_start3A_264 = arith.constant 0 : i32
        %dma_start3A_265 = arith.constant 0 : i32
        %dma_start3A_266 = tpu.memref_slice %dma_start3A_263[%select_n3A_167, %dma_start3A_264, %dma_start3A_265] : memref<3x128x128xf32, #tpu.memory_space<vmem_shared>> -> memref<1x128x128xf32, #tpu.memory_space<vmem_shared>>
        %dma_start3A_267 = tpu.memref_squeeze %dma_start3A_266 : memref<1x128x128xf32, #tpu.memory_space<vmem_shared>> -> memref<128x128xf32, #tpu.memory_space<vmem_shared>>
        tpu.enqueue_dma source(%dma_start3A_267 : memref<128x128xf32, #tpu.memory_space<vmem_shared>>) target(%dma_start3A_258 : memref<128x128xf32, #tpu.memory_space<hbm>>) target_semaphore(%dma_start3A_256 : memref<!tpu.dma_semaphore, #tpu.memory_space<semaphore_mem>>)
      } else {
      }
      %lt3A_170 = arith.constant 48 : i32
      %lt3A_171 = arith.cmpi slt, %scan3A_140, %lt3A_170 : i32
      %convert_element_type3A_172 = arith.extui %lt3A_171 : i1 to i32
      %cond3A_173 = arith.constant 0 : i32
      %cond3A_174 = arith.cmpi ne, %convert_element_type3A_172, %cond3A_173 : i32
      scf.if %cond3A_174 {
        %add3A_221 = arith.constant 2 : i32
        %add3A_222 = arith.addi %scan3A_140, %add3A_221 : i32
        %mul3A_223 = arith.constant 1 : i32
        %mul3A_224 = arith.muli %add3A_222, %mul3A_223 : i32
        %add3A_225 = arith.constant 0 : i32
        %add3A_226 = arith.addi %mul3A_224, %add3A_225 : i32
        %dma_start3A_227 = arith.constant 0 : i32
        %dma_start3A_228 = arith.constant 0 : i32
        %dma_start3A_229 = tpu.memref_slice %arg6[%select_n3A_167, %dma_start3A_227, %dma_start3A_228] : memref<3x128x128xf32, #tpu.memory_space<vmem>> -> memref<1x128x128xf32, #tpu.memory_space<vmem>>
        %dma_start3A_230 = tpu.memref_squeeze %dma_start3A_229 : memref<1x128x128xf32, #tpu.memory_space<vmem>> -> memref<128x128xf32, #tpu.memory_space<vmem>>
        %dma_start3A_231 = arith.constant 0 : i32
        %dma_start3A_232 = arith.constant 0 : i32
        %dma_start3A_233 = tpu.memref_slice %dma_start3A_230[%dma_start3A_231, %dma_start3A_232] : memref<128x128xf32, #tpu.memory_space<vmem>> -> memref<128x128xf32, #tpu.memory_space<vmem>>
        %dma_start3A_234 = arith.constant 0 : i32
        %dma_start3A_235 = tpu.memref_slice %arg5[%add3A_226, %dma_start3A_234] : memref<50x128xi32, #tpu.memory_space<vmem>> -> memref<1x128xi32, #tpu.memory_space<vmem>>
        %dma_start3A_236 = tpu.memref_squeeze %dma_start3A_235 : memref<1x128xi32, #tpu.memory_space<vmem>> -> memref<128xi32, #tpu.memory_space<vmem>>
        %dma_start3A_237 = arith.constant 0 : i32
        %dma_start3A_238 = arith.constant 0 : i32
        %dma_start3A_239 = tpu.memref_slice %arg2[%dma_start3A_237, %dma_start3A_238] : memref<100000x128xf32, #tpu.memory_space<hbm>> -> memref<100000x128xf32, #tpu.memory_space<hbm>>
        %dma_start3A_240 = tpu.memref_slice %arg8[%select_n3A_167] : memref<3x!tpu.dma_semaphore, #tpu.memory_space<semaphore_mem>> -> memref<1x!tpu.dma_semaphore, #tpu.memory_space<semaphore_mem>>
        %dma_start3A_241 = tpu.memref_squeeze %dma_start3A_240 : memref<1x!tpu.dma_semaphore, #tpu.memory_space<semaphore_mem>> -> memref<!tpu.dma_semaphore, #tpu.memory_space<semaphore_mem>>
        tpu.enqueue_indirect_dma source(%dma_start3A_239 : memref<100000x128xf32, #tpu.memory_space<hbm>>) target(%dma_start3A_233 : memref<128x128xf32, #tpu.memory_space<vmem>>) offsets(%dma_start3A_236 : memref<128xi32, #tpu.memory_space<vmem>>) semaphore(%dma_start3A_241 : memref<!tpu.dma_semaphore, #tpu.memory_space<semaphore_mem>>)
      } else {
      }
      %dma_wait3A_175 = arith.constant 0 : i32
      %dma_wait3A_176 = arith.constant 0 : i32
      %dma_wait3A_177 = arith.constant 0 : i32
      %dma_wait3A_178 = tpu.memref_slice %arg6[%select_n3A_149, %dma_wait3A_176, %dma_wait3A_177] : memref<3x128x128xf32, #tpu.memory_space<vmem>> -> memref<1x128x128xf32, #tpu.memory_space<vmem>>
      %dma_wait3A_179 = tpu.memref_squeeze %dma_wait3A_178 : memref<1x128x128xf32, #tpu.memory_space<vmem>> -> memref<128x128xf32, #tpu.memory_space<vmem>>
      %dma_wait3A_180 = arith.constant 0 : i32
      %dma_wait3A_181 = tpu.memref_slice %arg5[%dma_wait3A_175, %dma_wait3A_180] : memref<50x128xi32, #tpu.memory_space<vmem>> -> memref<1x128xi32, #tpu.memory_space<vmem>>
      %dma_wait3A_182 = tpu.memref_squeeze %dma_wait3A_181 : memref<1x128xi32, #tpu.memory_space<vmem>> -> memref<128xi32, #tpu.memory_space<vmem>>
      %dma_wait3A_183 = arith.constant 0 : i32
      %dma_wait3A_184 = arith.constant 0 : i32
      %dma_wait3A_185 = tpu.memref_slice %arg2[%dma_wait3A_183, %dma_wait3A_184] : memref<100000x128xf32, #tpu.memory_space<hbm>> -> memref<100000x128xf32, #tpu.memory_space<hbm>>
      %dma_wait3A_186 = tpu.memref_slice %arg8[%select_n3A_149] : memref<3x!tpu.dma_semaphore, #tpu.memory_space<semaphore_mem>> -> memref<1x!tpu.dma_semaphore, #tpu.memory_space<semaphore_mem>>
      %dma_wait3A_187 = tpu.memref_squeeze %dma_wait3A_186 : memref<1x!tpu.dma_semaphore, #tpu.memory_space<semaphore_mem>> -> memref<!tpu.dma_semaphore, #tpu.memory_space<semaphore_mem>>
      tpu.wait_indirect_dma semaphore(%dma_wait3A_187 : memref<!tpu.dma_semaphore, #tpu.memory_space<semaphore_mem>>) src(%dma_wait3A_185 : memref<100000x128xf32, #tpu.memory_space<hbm>>) dst(%dma_wait3A_179 : memref<128x128xf32, #tpu.memory_space<vmem>>)
      %ge3A_188 = arith.constant 3 : i32
      %ge3A_189 = arith.cmpi sge, %scan3A_140, %ge3A_188 : i32
      %convert_element_type3A_190 = arith.extui %ge3A_189 : i1 to i32
      %cond3A_191 = arith.constant 0 : i32
      %cond3A_192 = arith.cmpi ne, %convert_element_type3A_190, %cond3A_191 : i32
      scf.if %cond3A_192 {
        %dma_wait3A_221 = arith.constant 0 : i32
        %dma_wait3A_222 = tpu.memref_slice %arg10[%select_n3A_149] : memref<3x!tpu.dma_semaphore, #tpu.memory_space<semaphore_mem>> -> memref<1x!tpu.dma_semaphore, #tpu.memory_space<semaphore_mem>>
        %dma_wait3A_223 = tpu.memref_squeeze %dma_wait3A_222 : memref<1x!tpu.dma_semaphore, #tpu.memory_space<semaphore_mem>> -> memref<!tpu.dma_semaphore, #tpu.memory_space<semaphore_mem>>
        %dma_wait3A_224 = arith.constant 0 : i32
        %dma_wait3A_225 = arith.constant 0 : i32
        %dma_wait3A_226 = tpu.memref_slice %arg4[%dma_wait3A_224, %dma_wait3A_225] : memref<204800x128xf32, #tpu.memory_space<hbm>> -> memref<128x128xf32, #tpu.memory_space<hbm>>
        %dma_wait3A_227 = arith.constant 0 : i32
        %dma_wait3A_228 = arith.constant 0 : i32
        %dma_wait3A_229 = arith.constant 0 : i32
        %dma_wait3A_230 = tpu.memref_slice %arg7[%arg1, %dma_wait3A_227, %dma_wait3A_228, %dma_wait3A_229] : memref<16x3x128x128xf32, #tpu.memory_space<vmem_shared>> -> memref<1x3x128x128xf32, #tpu.memory_space<vmem_shared>>
        %dma_wait3A_231 = tpu.memref_squeeze %dma_wait3A_230 : memref<1x3x128x128xf32, #tpu.memory_space<vmem_shared>> -> memref<3x128x128xf32, #tpu.memory_space<vmem_shared>>
        %dma_wait3A_232 = arith.constant 0 : i32
        %dma_wait3A_233 = arith.constant 0 : i32
        %dma_wait3A_234 = tpu.memref_slice %dma_wait3A_231[%dma_wait3A_221, %dma_wait3A_232, %dma_wait3A_233] : memref<3x128x128xf32, #tpu.memory_space<vmem_shared>> -> memref<1x128x128xf32, #tpu.memory_space<vmem_shared>>
        %dma_wait3A_235 = tpu.memref_squeeze %dma_wait3A_234 : memref<1x128x128xf32, #tpu.memory_space<vmem_shared>> -> memref<128x128xf32, #tpu.memory_space<vmem_shared>>
        tpu.wait_dma2 semaphore(%dma_wait3A_223 : memref<!tpu.dma_semaphore, #tpu.memory_space<semaphore_mem>>) src(%dma_wait3A_235 : memref<128x128xf32, #tpu.memory_space<vmem_shared>>) dst(%dma_wait3A_226 : memref<128x128xf32, #tpu.memory_space<hbm>>)
      } else {
      }
      %dma_start3A_193 = arith.constant 0 : i32
      %dma_start3A_194 = arith.constant 0 : i32
      %dma_start3A_195 = tpu.memref_slice %arg6[%select_n3A_149, %dma_start3A_193, %dma_start3A_194] : memref<3x128x128xf32, #tpu.memory_space<vmem>> -> memref<1x128x128xf32, #tpu.memory_space<vmem>>
      %dma_start3A_196 = tpu.memref_squeeze %dma_start3A_195 : memref<1x128x128xf32, #tpu.memory_space<vmem>> -> memref<128x128xf32, #tpu.memory_space<vmem>>
      %dma_start3A_197 = arith.constant 0 : i32
      %dma_start3A_198 = arith.constant 0 : i32
      %dma_start3A_199 = arith.constant 0 : i32
      %dma_start3A_200 = tpu.memref_slice %arg7[%arg1, %dma_start3A_197, %dma_start3A_198, %dma_start3A_199] : memref<16x3x128x128xf32, #tpu.memory_space<vmem_shared>> -> memref<1x3x128x128xf32, #tpu.memory_space<vmem_shared>>
      %dma_start3A_201 = tpu.memref_squeeze %dma_start3A_200 : memref<1x3x128x128xf32, #tpu.memory_space<vmem_shared>> -> memref<3x128x128xf32, #tpu.memory_space<vmem_shared>>
      %dma_start3A_202 = arith.constant 0 : i32
      %dma_start3A_203 = arith.constant 0 : i32
      %dma_start3A_204 = tpu.memref_slice %dma_start3A_201[%select_n3A_149, %dma_start3A_202, %dma_start3A_203] : memref<3x128x128xf32, #tpu.memory_space<vmem_shared>> -> memref<1x128x128xf32, #tpu.memory_space<vmem_shared>>
      %dma_start3A_205 = tpu.memref_squeeze %dma_start3A_204 : memref<1x128x128xf32, #tpu.memory_space<vmem_shared>> -> memref<128x128xf32, #tpu.memory_space<vmem_shared>>
      %dma_start3A_206 = tpu.memref_slice %arg9[%select_n3A_149] : memref<3x!tpu.dma_semaphore, #tpu.memory_space<semaphore_mem>> -> memref<1x!tpu.dma_semaphore, #tpu.memory_space<semaphore_mem>>
      %dma_start3A_207 = tpu.memref_squeeze %dma_start3A_206 : memref<1x!tpu.dma_semaphore, #tpu.memory_space<semaphore_mem>> -> memref<!tpu.dma_semaphore, #tpu.memory_space<semaphore_mem>>
      %dma_start3A_208 = arith.constant 0 : i32
      %dma_start3A_209 = arith.constant 0 : i32
      %dma_start3A_210 = arith.constant 0 : i32
      %dma_start3A_211 = tpu.memref_slice %arg7[%arg1, %dma_start3A_208, %dma_start3A_209, %dma_start3A_210] : memref<16x3x128x128xf32, #tpu.memory_space<vmem_shared>> -> memref<1x3x128x128xf32, #tpu.memory_space<vmem_shared>>
      %dma_start3A_212 = tpu.memref_squeeze %dma_start3A_211 : memref<1x3x128x128xf32, #tpu.memory_space<vmem_shared>> -> memref<3x128x128xf32, #tpu.memory_space<vmem_shared>>
      %dma_start3A_213 = arith.constant 0 : i32
      %dma_start3A_214 = arith.constant 0 : i32
      %dma_start3A_215 = tpu.memref_slice %dma_start3A_212[%select_n3A_149, %dma_start3A_213, %dma_start3A_214] : memref<3x128x128xf32, #tpu.memory_space<vmem_shared>> -> memref<1x128x128xf32, #tpu.memory_space<vmem_shared>>
      %dma_start3A_216 = tpu.memref_squeeze %dma_start3A_215 : memref<1x128x128xf32, #tpu.memory_space<vmem_shared>> -> memref<128x128xf32, #tpu.memory_space<vmem_shared>>
      %dma_start3A_217 = arith.constant 0 : i32
      %dma_start3A_218 = arith.constant 0 : i32
      %dma_start3A_219 = tpu.memref_slice %arg6[%select_n3A_149, %dma_start3A_217, %dma_start3A_218] : memref<3x128x128xf32, #tpu.memory_space<vmem>> -> memref<1x128x128xf32, #tpu.memory_space<vmem>>
      %dma_start3A_220 = tpu.memref_squeeze %dma_start3A_219 : memref<1x128x128xf32, #tpu.memory_space<vmem>> -> memref<128x128xf32, #tpu.memory_space<vmem>>
      tpu.enqueue_dma source(%dma_start3A_220 : memref<128x128xf32, #tpu.memory_space<vmem>>) target(%dma_start3A_216 : memref<128x128xf32, #tpu.memory_space<vmem_shared>>) target_semaphore(%dma_start3A_207 : memref<!tpu.dma_semaphore, #tpu.memory_space<semaphore_mem>>)
    }
    %scan3A_42 = arith.constant 50 : i32
    %dma_wait3A = arith.constant 1 : i32
    %dma_wait3A_43 = arith.constant 1 : i32
    %dma_wait3A_44 = arith.constant 1 : i32
    %dma_wait3A_45 = arith.constant 0 : i32
    %dma_wait3A_46 = arith.constant 0 : i32
    %dma_wait3A_47 = tpu.memref_slice %arg6[%dma_wait3A, %dma_wait3A_45, %dma_wait3A_46] : memref<3x128x128xf32, #tpu.memory_space<vmem>> -> memref<1x128x128xf32, #tpu.memory_space<vmem>>
    %dma_wait3A_48 = tpu.memref_squeeze %dma_wait3A_47 : memref<1x128x128xf32, #tpu.memory_space<vmem>> -> memref<128x128xf32, #tpu.memory_space<vmem>>
    %dma_wait3A_49 = arith.constant 0 : i32
    %dma_wait3A_50 = arith.constant 0 : i32
    %dma_wait3A_51 = arith.constant 0 : i32
    %dma_wait3A_52 = tpu.memref_slice %arg7[%arg1, %dma_wait3A_49, %dma_wait3A_50, %dma_wait3A_51] : memref<16x3x128x128xf32, #tpu.memory_space<vmem_shared>> -> memref<1x3x128x128xf32, #tpu.memory_space<vmem_shared>>
    %dma_wait3A_53 = tpu.memref_squeeze %dma_wait3A_52 : memref<1x3x128x128xf32, #tpu.memory_space<vmem_shared>> -> memref<3x128x128xf32, #tpu.memory_space<vmem_shared>>
    %dma_wait3A_54 = arith.constant 0 : i32
    %dma_wait3A_55 = arith.constant 0 : i32
    %dma_wait3A_56 = tpu.memref_slice %dma_wait3A_53[%dma_wait3A_43, %dma_wait3A_54, %dma_wait3A_55] : memref<3x128x128xf32, #tpu.memory_space<vmem_shared>> -> memref<1x128x128xf32, #tpu.memory_space<vmem_shared>>
    %dma_wait3A_57 = tpu.memref_squeeze %dma_wait3A_56 : memref<1x128x128xf32, #tpu.memory_space<vmem_shared>> -> memref<128x128xf32, #tpu.memory_space<vmem_shared>>
    %dma_wait3A_58 = tpu.memref_slice %arg9[%dma_wait3A_44] : memref<3x!tpu.dma_semaphore, #tpu.memory_space<semaphore_mem>> -> memref<1x!tpu.dma_semaphore, #tpu.memory_space<semaphore_mem>>
    %dma_wait3A_59 = tpu.memref_squeeze %dma_wait3A_58 : memref<1x!tpu.dma_semaphore, #tpu.memory_space<semaphore_mem>> -> memref<!tpu.dma_semaphore, #tpu.memory_space<semaphore_mem>>
    %dma_wait3A_60 = arith.constant 0 : i32
    %dma_wait3A_61 = arith.constant 0 : i32
    %dma_wait3A_62 = arith.constant 0 : i32
    %dma_wait3A_63 = tpu.memref_slice %arg7[%arg1, %dma_wait3A_60, %dma_wait3A_61, %dma_wait3A_62] : memref<16x3x128x128xf32, #tpu.memory_space<vmem_shared>> -> memref<1x3x128x128xf32, #tpu.memory_space<vmem_shared>>
    %dma_wait3A_64 = tpu.memref_squeeze %dma_wait3A_63 : memref<1x3x128x128xf32, #tpu.memory_space<vmem_shared>> -> memref<3x128x128xf32, #tpu.memory_space<vmem_shared>>
    %dma_wait3A_65 = arith.constant 0 : i32
    %dma_wait3A_66 = arith.constant 0 : i32
    %dma_wait3A_67 = tpu.memref_slice %dma_wait3A_64[%dma_wait3A_43, %dma_wait3A_65, %dma_wait3A_66] : memref<3x128x128xf32, #tpu.memory_space<vmem_shared>> -> memref<1x128x128xf32, #tpu.memory_space<vmem_shared>>
    %dma_wait3A_68 = tpu.memref_squeeze %dma_wait3A_67 : memref<1x128x128xf32, #tpu.memory_space<vmem_shared>> -> memref<128x128xf32, #tpu.memory_space<vmem_shared>>
    %dma_wait3A_69 = arith.constant 0 : i32
    %dma_wait3A_70 = arith.constant 0 : i32
    %dma_wait3A_71 = tpu.memref_slice %arg6[%dma_wait3A, %dma_wait3A_69, %dma_wait3A_70] : memref<3x128x128xf32, #tpu.memory_space<vmem>> -> memref<1x128x128xf32, #tpu.memory_space<vmem>>
    %dma_wait3A_72 = tpu.memref_squeeze %dma_wait3A_71 : memref<1x128x128xf32, #tpu.memory_space<vmem>> -> memref<128x128xf32, #tpu.memory_space<vmem>>
    tpu.wait_dma2 semaphore(%dma_wait3A_59 : memref<!tpu.dma_semaphore, #tpu.memory_space<semaphore_mem>>) src(%dma_wait3A_72 : memref<128x128xf32, #tpu.memory_space<vmem>>) dst(%dma_wait3A_68 : memref<128x128xf32, #tpu.memory_space<vmem_shared>>)
    %add3A_73 = arith.constant 49 : i32
    %add3A_74 = arith.addi %mul3A_2, %add3A_73 : i32
    %mul3A_75 = arith.constant 128 : i32
    %mul3A_76 = arith.muli %add3A_74, %mul3A_75 : i32
    %dma_start3A_77 = arith.constant 1 : i32
    %dma_start3A_78 = arith.constant 1 : i32
    %dma_start3A_79 = tpu.memref_slice %arg10[%dma_start3A_78] : memref<3x!tpu.dma_semaphore, #tpu.memory_space<semaphore_mem>> -> memref<1x!tpu.dma_semaphore, #tpu.memory_space<semaphore_mem>>
    %dma_start3A_80 = tpu.memref_squeeze %dma_start3A_79 : memref<1x!tpu.dma_semaphore, #tpu.memory_space<semaphore_mem>> -> memref<!tpu.dma_semaphore, #tpu.memory_space<semaphore_mem>>
    %dma_start3A_81 = arith.constant 0 : i32
    %dma_start3A_82 = tpu.memref_slice %arg4[%mul3A_76, %dma_start3A_81] : memref<204800x128xf32, #tpu.memory_space<hbm>> -> memref<128x128xf32, #tpu.memory_space<hbm>>
    %dma_start3A_83 = arith.constant 0 : i32
    %dma_start3A_84 = arith.constant 0 : i32
    %dma_start3A_85 = arith.constant 0 : i32
    %dma_start3A_86 = tpu.memref_slice %arg7[%arg1, %dma_start3A_83, %dma_start3A_84, %dma_start3A_85] : memref<16x3x128x128xf32, #tpu.memory_space<vmem_shared>> -> memref<1x3x128x128xf32, #tpu.memory_space<vmem_shared>>
    %dma_start3A_87 = tpu.memref_squeeze %dma_start3A_86 : memref<1x3x128x128xf32, #tpu.memory_space<vmem_shared>> -> memref<3x128x128xf32, #tpu.memory_space<vmem_shared>>
    %dma_start3A_88 = arith.constant 0 : i32
    %dma_start3A_89 = arith.constant 0 : i32
    %dma_start3A_90 = tpu.memref_slice %dma_start3A_87[%dma_start3A_77, %dma_start3A_88, %dma_start3A_89] : memref<3x128x128xf32, #tpu.memory_space<vmem_shared>> -> memref<1x128x128xf32, #tpu.memory_space<vmem_shared>>
    %dma_start3A_91 = tpu.memref_squeeze %dma_start3A_90 : memref<1x128x128xf32, #tpu.memory_space<vmem_shared>> -> memref<128x128xf32, #tpu.memory_space<vmem_shared>>
    tpu.enqueue_dma source(%dma_start3A_91 : memref<128x128xf32, #tpu.memory_space<vmem_shared>>) target(%dma_start3A_82 : memref<128x128xf32, #tpu.memory_space<hbm>>) target_semaphore(%dma_start3A_80 : memref<!tpu.dma_semaphore, #tpu.memory_space<semaphore_mem>>)
    %dma_wait3A_92 = arith.constant 0 : i32
    %dma_wait3A_93 = arith.constant 2 : i32
    %dma_wait3A_94 = tpu.memref_slice %arg10[%dma_wait3A_93] : memref<3x!tpu.dma_semaphore, #tpu.memory_space<semaphore_mem>> -> memref<1x!tpu.dma_semaphore, #tpu.memory_space<semaphore_mem>>
    %dma_wait3A_95 = tpu.memref_squeeze %dma_wait3A_94 : memref<1x!tpu.dma_semaphore, #tpu.memory_space<semaphore_mem>> -> memref<!tpu.dma_semaphore, #tpu.memory_space<semaphore_mem>>
    %dma_wait3A_96 = arith.constant 0 : i32
    %dma_wait3A_97 = arith.constant 0 : i32
    %dma_wait3A_98 = tpu.memref_slice %arg4[%dma_wait3A_96, %dma_wait3A_97] : memref<204800x128xf32, #tpu.memory_space<hbm>> -> memref<128x128xf32, #tpu.memory_space<hbm>>
    %dma_wait3A_99 = arith.constant 0 : i32
    %dma_wait3A_100 = arith.constant 0 : i32
    %dma_wait3A_101 = arith.constant 0 : i32
    %dma_wait3A_102 = tpu.memref_slice %arg7[%arg1, %dma_wait3A_99, %dma_wait3A_100, %dma_wait3A_101] : memref<16x3x128x128xf32, #tpu.memory_space<vmem_shared>> -> memref<1x3x128x128xf32, #tpu.memory_space<vmem_shared>>
    %dma_wait3A_103 = tpu.memref_squeeze %dma_wait3A_102 : memref<1x3x128x128xf32, #tpu.memory_space<vmem_shared>> -> memref<3x128x128xf32, #tpu.memory_space<vmem_shared>>
    %dma_wait3A_104 = arith.constant 0 : i32
    %dma_wait3A_105 = arith.constant 0 : i32
    %dma_wait3A_106 = tpu.memref_slice %dma_wait3A_103[%dma_wait3A_92, %dma_wait3A_104, %dma_wait3A_105] : memref<3x128x128xf32, #tpu.memory_space<vmem_shared>> -> memref<1x128x128xf32, #tpu.memory_space<vmem_shared>>
    %dma_wait3A_107 = tpu.memref_squeeze %dma_wait3A_106 : memref<1x128x128xf32, #tpu.memory_space<vmem_shared>> -> memref<128x128xf32, #tpu.memory_space<vmem_shared>>
    tpu.wait_dma2 semaphore(%dma_wait3A_95 : memref<!tpu.dma_semaphore, #tpu.memory_space<semaphore_mem>>) src(%dma_wait3A_107 : memref<128x128xf32, #tpu.memory_space<vmem_shared>>) dst(%dma_wait3A_98 : memref<128x128xf32, #tpu.memory_space<hbm>>)
    %dma_wait3A_108 = arith.constant 0 : i32
    %dma_wait3A_109 = arith.constant 0 : i32
    %dma_wait3A_110 = tpu.memref_slice %arg10[%dma_wait3A_109] : memref<3x!tpu.dma_semaphore, #tpu.memory_space<semaphore_mem>> -> memref<1x!tpu.dma_semaphore, #tpu.memory_space<semaphore_mem>>
    %dma_wait3A_111 = tpu.memref_squeeze %dma_wait3A_110 : memref<1x!tpu.dma_semaphore, #tpu.memory_space<semaphore_mem>> -> memref<!tpu.dma_semaphore, #tpu.memory_space<semaphore_mem>>
    %dma_wait3A_112 = arith.constant 0 : i32
    %dma_wait3A_113 = arith.constant 0 : i32
    %dma_wait3A_114 = tpu.memref_slice %arg4[%dma_wait3A_112, %dma_wait3A_113] : memref<204800x128xf32, #tpu.memory_space<hbm>> -> memref<128x128xf32, #tpu.memory_space<hbm>>
    %dma_wait3A_115 = arith.constant 0 : i32
    %dma_wait3A_116 = arith.constant 0 : i32
    %dma_wait3A_117 = arith.constant 0 : i32
    %dma_wait3A_118 = tpu.memref_slice %arg7[%arg1, %dma_wait3A_115, %dma_wait3A_116, %dma_wait3A_117] : memref<16x3x128x128xf32, #tpu.memory_space<vmem_shared>> -> memref<1x3x128x128xf32, #tpu.memory_space<vmem_shared>>
    %dma_wait3A_119 = tpu.memref_squeeze %dma_wait3A_118 : memref<1x3x128x128xf32, #tpu.memory_space<vmem_shared>> -> memref<3x128x128xf32, #tpu.memory_space<vmem_shared>>
    %dma_wait3A_120 = arith.constant 0 : i32
    %dma_wait3A_121 = arith.constant 0 : i32
    %dma_wait3A_122 = tpu.memref_slice %dma_wait3A_119[%dma_wait3A_108, %dma_wait3A_120, %dma_wait3A_121] : memref<3x128x128xf32, #tpu.memory_space<vmem_shared>> -> memref<1x128x128xf32, #tpu.memory_space<vmem_shared>>
    %dma_wait3A_123 = tpu.memref_squeeze %dma_wait3A_122 : memref<1x128x128xf32, #tpu.memory_space<vmem_shared>> -> memref<128x128xf32, #tpu.memory_space<vmem_shared>>
    tpu.wait_dma2 semaphore(%dma_wait3A_111 : memref<!tpu.dma_semaphore, #tpu.memory_space<semaphore_mem>>) src(%dma_wait3A_123 : memref<128x128xf32, #tpu.memory_space<vmem_shared>>) dst(%dma_wait3A_114 : memref<128x128xf32, #tpu.memory_space<hbm>>)
    %dma_wait3A_124 = arith.constant 0 : i32
    %dma_wait3A_125 = arith.constant 1 : i32
    %dma_wait3A_126 = tpu.memref_slice %arg10[%dma_wait3A_125] : memref<3x!tpu.dma_semaphore, #tpu.memory_space<semaphore_mem>> -> memref<1x!tpu.dma_semaphore, #tpu.memory_space<semaphore_mem>>
    %dma_wait3A_127 = tpu.memref_squeeze %dma_wait3A_126 : memref<1x!tpu.dma_semaphore, #tpu.memory_space<semaphore_mem>> -> memref<!tpu.dma_semaphore, #tpu.memory_space<semaphore_mem>>
    %dma_wait3A_128 = arith.constant 0 : i32
    %dma_wait3A_129 = arith.constant 0 : i32
    %dma_wait3A_130 = tpu.memref_slice %arg4[%dma_wait3A_128, %dma_wait3A_129] : memref<204800x128xf32, #tpu.memory_space<hbm>> -> memref<128x128xf32, #tpu.memory_space<hbm>>
    %dma_wait3A_131 = arith.constant 0 : i32
    %dma_wait3A_132 = arith.constant 0 : i32
    %dma_wait3A_133 = arith.constant 0 : i32
    %dma_wait3A_134 = tpu.memref_slice %arg7[%arg1, %dma_wait3A_131, %dma_wait3A_132, %dma_wait3A_133] : memref<16x3x128x128xf32, #tpu.memory_space<vmem_shared>> -> memref<1x3x128x128xf32, #tpu.memory_space<vmem_shared>>
    %dma_wait3A_135 = tpu.memref_squeeze %dma_wait3A_134 : memref<1x3x128x128xf32, #tpu.memory_space<vmem_shared>> -> memref<3x128x128xf32, #tpu.memory_space<vmem_shared>>
    %dma_wait3A_136 = arith.constant 0 : i32
    %dma_wait3A_137 = arith.constant 0 : i32
    %dma_wait3A_138 = tpu.memref_slice %dma_wait3A_135[%dma_wait3A_124, %dma_wait3A_136, %dma_wait3A_137] : memref<3x128x128xf32, #tpu.memory_space<vmem_shared>> -> memref<1x128x128xf32, #tpu.memory_space<vmem_shared>>
    %dma_wait3A_139 = tpu.memref_squeeze %dma_wait3A_138 : memref<1x128x128xf32, #tpu.memory_space<vmem_shared>> -> memref<128x128xf32, #tpu.memory_space<vmem_shared>>
    tpu.wait_dma2 semaphore(%dma_wait3A_127 : memref<!tpu.dma_semaphore, #tpu.memory_space<semaphore_mem>>) src(%dma_wait3A_139 : memref<128x128xf32, #tpu.memory_space<vmem_shared>>) dst(%dma_wait3A_130 : memref<128x128xf32, #tpu.memory_space<hbm>>)
    return
  }
}

</mosaic_0001>

<sc_bundles>
// kernel: kernel.3.cloned.1.call-start
scs
__scs_entry_jumppad:
0x0: {  	(pc) =	sbr.rel $0x88, $3  }
0x1: {  	(tag) =	ssettag $0x0;
	lr =	simm.s32 $0x1  }
0x2: {  	[smem:$0x3F9F] =	sst lr;
	_ =	strace $0xD0000000  }
0x3: {  	_ = 	snop  }
0x4: {  	_ = 	snop  }
0x5: {  	_ = 	snop  }
0x6: {  	_ = 	snop  }
0x7: {  	_ = 	snop  }
__scs_overlays_trampoline_lowered:
0x8: {  	[smem:$0x3FAE] =	sst s0  }
0x9: {  	[smem:$0x3FAF] =	sst s1  }
0xa: {  	[smem:$0x3FB0] =	sst s2  }
0xb: {  	[smem:$0x3FB1] =	sst s3  }
0xc: {  	[smem:$0x3FB2] =	sst s4  }
0xd: {  	[smem:$0x3FB3] =	sst s5  }
0xe: {  	[smem:$0x3FB4] =	sst s6  }
0xf: {  	[smem:$0x3FB5] =	sst s7  }
0x10: {  	[smem:$0x3FB6] =	sst s8  }
0x11: {  	[smem:$0x3FB7] =	sst s9;
	s0 =	simm.s32 @!p0 $0x0  }
0x12: {  	s1 =	sld [smem:$0x3F9D];
	s0 =	simm.s32 @p0 $0x1  }
0x13: {  	[smem:$0x3FB8] =	sst s0;
	s0 =	simm.s32 @!p1 $0x0  }
0x14: {  	s2 =	sld [smem:$0x3F9C];
	s0 =	simm.s32 @p1 $0x1  }
0x15: {  	[smem:$0x3FB9] =	sst s0;
	s0 =	simm.s32 @!p2 $0x0  }
0x16: {  	s3 =	sld [smem:$0x3FDB];
	s0 =	simm.s32 @p2 $0x1  }
0x17: {  	s4 =	simm.s32 $0x1BF5;
	[smem:$0x3FBB] =	sst s0  }
0x18: {  	s0 =	sld [smem:$0x3F9E];
	_ =	swait.ge [sflag:s4], $0x0  }
0x19: {  	s7 =	sld [smem:$0x3F9F]  }
0x1a: {  	s8 =	sadd.s32 $0xFFFFE003, lr  }
0x1b: {  	s9 =	sadd.s32 $0xFFFFFEF7, lr;
	s5 =	simm.s32 $0xFFFFFFFF;
	p2 =	slt.u32 s8, $0xFFFFF086  }
0x1c: {  	p1 =	slt.u32 s9, $0xF7A;
	s5 =	simm.s32 @!p2 $0x0  }
0x1d: {  	s5 =	simm.s32 @p1 $0x1;
	p0 =	seq.s32 s7, s2  }
0x1e: {  	s7 =	smul.u32 @!p0 $0xF7A, s2;
	p2 =	seq.s32 @!p0 s5, $0x0  }
0x1f: {  	s9 =	smul.u32 $0xF7A, s1;
	s8 =	simm.s32 @!p0 $0x1BF5;
	p2 =	por !p2, p0  }
0x20: {  	[sflag:s8] =	ssyncset.s32 @!p0 $0xFFFFF086;
	s6 =	sadd.s32 @!p0 s3, s7;
	s7 =	simm.s32 @!p0 $0x108  }
0x21: {  	s3 =	sadd.s32 s3, s9;
	s6 =	sadd.s32 @!p0 $0x88, s6;
	s7 =	simm.s32 @p2 $0x1082  }
0x22: {  	[simem:s7], [sflag:s8] =	dma.local @!p0 [hbm:s6], $0xF7A  }
0x23: {  	s9 =	sor.u32 $0xD0000000, s2;
	s6 =	simm.s32 $0x108;
	_ =	swait.ge @!p0 [sflag:s8], $0x0  }
0x24: {  	s3 =	sadd.s32 $0x88, s3;
	s6 =	simm.s32 @!p1 $0x1082;
	[sflag:s4] =	ssyncset.s32 $0xFFFFF086  }
0x25: {  	[simem:s6], [sflag:s4] =	dma.local [hbm:s3], $0xF7A  }
0x26: {  	[smem:$0x3F9F] =	sst s1;
	(tag) =	ssettag s2;
	_ =	strace s9  }
0x27: {  	s1 =	sld [smem:$0x3FAF]  }
0x28: {  	s2 =	sld [smem:$0x3FB0]  }
0x29: {  	s4 =	sld [smem:$0x3FB2]  }
0x2a: {  	p0 =	seq.s32 s5, $0x0;
	s5 =	sld [smem:$0x3FB3]  }
0x2b: {  	s6 =	sld [smem:$0x3FB4]  }
0x2c: {  	s7 =	sld [smem:$0x3FB5]  }
0x2d: {  	s3 =	simm.s32 $0x108;
	s8 =	sld [smem:$0x3FB6]  }
0x2e: {  	s3 =	simm.s32 @!p0 $0x1082;
	s9 =	sld [smem:$0x3FB7]  }
0x2f: {  	lr =	sadd.s32 s0, s3;
	s0 =	sld [smem:$0x3FAE]  }
0x30: {  	s3 =	sld [smem:$0x3FB1]  }
0x31: {  	[smem:$0x3FBA] =	sst s10  }
0x32: {  	s10 =	sld [smem:$0x3FB8];
	_ =	sdelay $0x3  }
0x33: {  	p0 =	seq.s32 s10, $0x1;
	s10 =	sld [smem:$0x3FBA];
	_ =	sdelay $0x3  }
0x34: {  	[smem:$0x3FBA] =	sst s10  }
0x35: {  	s10 =	sld [smem:$0x3FB9];
	_ =	sdelay $0x3  }
0x36: {  	p1 =	seq.s32 s10, $0x1;
	s10 =	sld [smem:$0x3FBA];
	_ =	sdelay $0x3  }
0x37: {  	[smem:$0x3FBA] =	sst s10  }
0x38: {  	s10 =	sld [smem:$0x3FBB]  }
0x39: {  	_ = 	snop;
	(pc) =	sbr.ind lr, $3  }
0x3a: {  	_ = 	snop  }
0x3b: {  	_ = 	snop  }
0x3c: {  	p2 =	seq.s32 s10, $0x1;
	s10 =	sld [smem:$0x3FBA]  }
0x3d: {  	_ =	shalt  }
0x3e: {  	_ =	shalt  }
0x3f: {  	_ =	shalt  }
0x40: {  	_ =	shalt  }
0x41: {  	_ =	shalt  }
0x42: {  	_ =	shalt  }
0x43: {  	_ =	shalt  }
0x44: {  	_ =	shalt  }
0x45: {  	_ =	shalt  }
0x46: {  	_ =	shalt  }
0x47: {  	_ =	shalt  }
0x48: {  	_ =	shalt  }
0x49: {  	_ =	shalt  }
0x4a: {  	_ =	shalt  }
0x4b: {  	_ =	shalt  }
0x4c: {  	_ =	shalt  }
0x4d: {  	_ =	shalt  }
0x4e: {  	_ =	shalt  }
0x4f: {  	_ =	shalt  }
0x50: {  	_ =	shalt  }
0x51: {  	_ =	shalt  }
0x52: {  	_ =	shalt  }
0x53: {  	_ =	shalt  }
0x54: {  	_ =	shalt  }
0x55: {  	_ =	shalt  }
0x56: {  	_ =	shalt  }
0x57: {  	_ =	shalt  }
0x58: {  	_ =	shalt  }
0x59: {  	_ =	shalt  }
0x5a: {  	_ =	shalt  }
0x5b: {  	_ =	shalt  }
0x5c: {  	_ =	shalt  }
0x5d: {  	_ =	shalt  }
0x5e: {  	_ =	shalt  }
0x5f: {  	_ =	shalt  }
0x60: {  	_ =	shalt  }
0x61: {  	_ =	shalt  }
0x62: {  	_ =	shalt  }
0x63: {  	_ =	shalt  }
0x64: {  	_ =	shalt  }
0x65: {  	_ =	shalt  }
0x66: {  	_ =	shalt  }
0x67: {  	_ =	shalt  }
0x68: {  	_ =	shalt  }
0x69: {  	_ =	shalt  }
0x6a: {  	_ =	shalt  }
0x6b: {  	_ =	shalt  }
0x6c: {  	_ =	shalt  }
0x6d: {  	_ =	shalt  }
0x6e: {  	_ =	shalt  }
0x6f: {  	_ =	shalt  }
0x70: {  	_ =	shalt  }
0x71: {  	_ =	shalt  }
0x72: {  	_ =	shalt  }
0x73: {  	_ =	shalt  }
0x74: {  	_ =	shalt  }
0x75: {  	_ =	shalt  }
0x76: {  	_ =	shalt  }
0x77: {  	_ =	shalt  }
0x78: {  	_ =	shalt  }
0x79: {  	_ =	shalt  }
0x7a: {  	_ =	shalt  }
0x7b: {  	_ =	shalt  }
0x7c: {  	_ =	shalt  }
0x7d: {  	_ =	shalt  }
0x7e: {  	_ =	shalt  }
0x7f: {  	_ =	shalt  }
0x80: {  	_ =	shalt  }
0x81: {  	_ =	shalt  }
0x82: {  	_ =	shalt  }
0x83: {  	_ =	shalt  }
0x84: {  	_ =	shalt  }
0x85: {  	_ =	shalt  }
0x86: {  	_ =	shalt  }
0x87: {  	_ =	shalt  }
.Lfunc_end0:
.L_simem_size_0:
called_computation_lowered:
.L_overlay_start_0:
0x88: {  	s2 =	sld [smem:$0x3FD9]  }
0x89: {  	s3 =	sld [smem:$0x3FFE];
	_ =	sdelay $0x1  }
0x8a: {  	s1 =	srdreg.scid  }
0x8b: {  	s0 =	sand.u32 $0x1, s1  }
0x8c: {  	s17 =	sshll.u32 s0, $0xA;
	s2 =	sadd.s32 s3, s2  }
0x8d: {  	s2 =	sadd.s32 s2, s17  }
0x8e: {  	[smem:$0x3FC6] =	sst s2  }
0x8f: {  	_ = 	snop  }
0x90: {  	s2 =	sld [smem:$0x3FC8]  }
0x91: {  	s18 =	sld [smem:$0x3FD0];
	(tm) =	ssettm $0x1  }
0x92: {  	s4 =	sld [smem:$0x3FFB];
	_ =	sdelay $0x3  }
0x93: {  	_ =	strace s4  }
0x94: {  	s4 =	sld [smem:$0x3FFC];
	_ =	sdelay $0x3  }
0x95: {  	_ =	strace s4  }
0x96: {  	s4 =	sld [smem:$0x3FFD];
	_ =	sdelay $0x3  }
0x97: {  	_ =	strace s4  }
0x98: {  	_ =	strace $0x8FFFFFFF  }
0x99: {  	s19 =	sld [smem:$0x3FDB];
	_ =	sdelay $0x1  }
0x9a: {  	s5 =	simm.s32 $_scs_section_size  }
0x9b: {  	s6 =	simm.s32 $_size__tile_overlayer_lowered;
	s7 =	simm.s32 $_tile_overlayer_lowered  }
0x9c: {  	s22 =	simm.s32 $0x1BFF;
	s21 =	sshll.u32 s7, $0x1;
	s4 =	sadd.s32 s5, s19  }
0x9d: {  	s8 =	simm.s32 $0x0;
	s20 =	sshll.u32 s6, $0x1;
	s6 =	sadd.s32 s21, s4  }
0x9e: {  	[timem:s8], [sflag:s22] =	dma.local [hbm:s6], s20  }
0x9f: {  	_ =	swait.ge [sflag:s22], s20  }
0xa0: {  	s5 =	ssub.s32 $0x0, s20;
	[sflag:s22] =	ssyncset.done $0x0  }
0xa1: {  	[sflag:s22] =	ssyncadd.s32 s5;
	_ =	sdelay $0x1  }
0xa2: {  	s23 =	simm.s32 $0x1B8B  }
0xa3: {  	_ =	swait.ge [sflag:s23], $0x1  }
0xa4: {  	[sflag:s23] =	ssyncset.done $0x0  }
0xa5: {  	s25 =	simm.s32 $0x1B8E;
	s24 =	sld [smem:$0x3FFE];
	[sflag:s23] =	ssyncadd.s32 $0xFFFFFFFF  }
0xa6: {  	s26 =	simm.s32 $execute0_lowered;
	[smem:$0x3FD2] =	sst s25  }
0xa7: {  	s6 =	sshll.u32 s26, $0x1;
	_ =	strace $0x80000046;
	[dreg:$0x1] =	wrdreg $0xFFFFFFFF  }
0xa8: {  	s28 =	simm.s32 $_size_execute0_lowered;
	s4 =	sadd.s32 s4, s6;
	[dreg:$0x0] =	wrdreg $0x0  }
0xa9: {  	s6 =	sshll.u32 s28, $0x1;
	[dreg:$0x2] =	wrdreg s4  }
0xaa: {  	[dreg:$0x3] =	wrdreg s6  }
0xab: {  	[dreg:$0x4] =	wrdreg $0xC0  }
0xac: {  	_ =	task [dreg:s8], $0x5FFFF  }
0xad: {  	[dreg:$0x1] =	wrdreg $0xFFFFFFFF  }
0xae: {  	[dreg:$0x0] =	wrdreg $0x60  }
0xaf: {  	[dreg:$0x2] =	wrdreg s2  }
0xb0: {  	[dreg:$0x3] =	wrdreg s24  }
0xb1: {  	[dreg:$0x4] =	wrdreg s18  }
0xb2: {  	[dreg:$0x5] =	wrdreg $0xDC000  }
0xb3: {  	[dreg:$0x6] =	wrdreg $0x9  }
0xb4: {  	_ =	task.clear_ibuf [dreg:s8], $0x7FFFF;
	_ =	strace $0x90000046  }
0xb5: {  	s29 =	simm.s32 $0x9;
	_ =	strace $0x80000048  }
0xb6: {  	_ =	swait.ge [sflag:s29], $0x1  }
0xb7: {  	[sflag:s29] =	ssyncadd.s32 $0xFFFFFFFF  }
0xb8: {  	_ =	strace $0x90000048  }
0xb9: {  	_ =	sfence  }
0xba: {  	s30 =	sld [smem:$0x0];
	_ =	sdelay $0x2  }
0xbb: {  	s31 =	sshll.u32 s1, $0xD;
	s1 =	sshrl.u32 s1, $0x2  }
0xbc: {  	s3 =	sand.u32 $0x4000, s31;
	s1 =	sadd.s32 s1, s30  }
0xbd: {  	s0 =	sor.u32 s3, s0;
	s1 =	sshll.u32 s1, $0x11  }
0xbe: {  	s0 =	sor.u32 s1, s0  }
0xbf: {  	s0 =	sadd.s32 $0x8F2B, s0  }
0xc0: {  	[sflag:s0] =	ssyncadd.remote.s32 $0x1  }
0xc1: {  	_ =	sfence.sel $0xFFFF  }
0xc2: {  	[dreg:$0x0] =	wrdreg $0xFFFFFFFF;
	(pc) =	sbr.abs _section_cstart, $3  }
0xc3: {  	[dreg:$0x1] =	wrdreg $0xFFFFFFFF  }
0xc4: {  	_ =	task.clear_ibuf [dreg:s8], $0x2FFFF;
	_ =	strace $0x9FFFFFFF  }
0xc5: {  	(tm) =	ssettm $0x7FFFFFFF  }
tec
execute0_lowered:
.L_overlay_start_1:
0x0: {  	(tag) =	ssettag $0x1  }
0x1: {  	s1 =	rddreg [dreg:$0x0]  }
0x2: {  	s2 =	srdreg.scid;
	s5 =	rddreg [dreg:$0x1]  }
0x3: {  	s0 =	stileid.u32;
	s3 =	rddreg [dreg:$0x2]  }
0x4: {  	s8 =	rddreg [dreg:$0x3];
	s4 =	simm.s32 $0x0;
	s14 =	simm.s32 $0x5  }
0x5: {  	s16 =	simm.s32 $0x9;
	s17 =	simm.s32 $0x7;
	s18 =	simm.s32 $0x8  }
0x6: {  	s19 =	simm.s32 $0x0;
	s6 =	sand.u32 $0x1, s2;
	s10 =	smul.u32 $0x30000, s0  }
0x7: {  	s25 =	sshll.u32 s0, $0x1;
	s2 =	rddreg [dreg:$0x4];
	s13 =	smul.u32 $0x64, s0  }
0x8: {  	[smem:$0x7FF] =	sst s4;
	s7 =	sor.u32 s6, s25;
	s28 =	smul.u32 $0x32, s6  }
0x9: {  	s11 =	ssub.s32 $0x2, s6;
	_ =	strace $0x80000047;
	s9 =	smul.u32 $0x380, s7  }
0xa: {  	s7 =	smul.u32 $0xC8000, s7;
	s12 =	sshrl.u32 s11, $0x1;
	s29 =	sshrl.u32 s10, $0x2  }
0xb: {  	s10 =	simm.s32 $0xA;
	s26 =	ssub.s32 s11, s12;
	s6 =	sadd.s32 s29, s8  }
.Ltmp0:
0xc: {  	s30 =	sadd.s32 s28, s13;
	s11 =	simm.s32 $0x80;
	(pc) =	sbr.rel .LBB2_1-.Ltmp0, $4  }
0xd: {  	s12 =	simm.s32 $0x1C00;
	s13 =	simm.s32 $0x5C00;
	s5 =	sadd.s32 s9, s5  }
0xe: {  	s7 =	sshrl.u32 s7, $0x3;
	s15 =	sadd.s32 $0x4000, s6;
	s31 =	sshll.u32 s30, $0xB  }
0xf: {  	s8 =	smax.u32 s26, $0x1;
	s5 =	sadd.s32 $0x400, s5;
	s7 =	sadd.s32 s3, s7  }
0x10: {  	s9 =	sadd.s32 $0x1FFFF800, s31;
	s15 =	sshrl.u32 s15, $0x3;
	s7 =	sadd.s32 $0x18800, s7  }
.LBB2_6:
0x11: {  	_ =	swait.ge [sflag:s14], $0x4000  }
0x12: {  	s20 =	sshll.u32 s0, $0x6;
	[sflag:s14] =	ssyncset.done $0x0  }
0x13: {  	s20 =	sor.u32 $0x1C08, s20;
	[sflag:s14] =	ssyncadd.s32 $0xFFFFC000  }
0x14: {  	[hbm:s7], [sflag:s20] =	dma.local [spmem:s15], $0x800  }
0x15: {  	_ =	swait.ge [sflag:s16], $0x800  }
0x16: {  	[sflag:s16] =	ssyncset.done $0x0  }
0x17: {  	s19 =	sadd.s32 $0x1, s19;
	[sflag:s16] =	ssyncadd.s32 $0xFFFFF800  }
0x18: {  	p0 =	sne.s32 s19, s8;
	_ =	swait.ge [sflag:s17], $0x800  }
.Ltmp1:
0x19: {  	[sflag:s17] =	ssyncset.done $0x0;
	(pc) =	sbr.rel @!p0 .LBB2_7-.Ltmp1, $4  }
0x1a: {  	[sflag:s17] =	ssyncadd.s32 $0xFFFFF800  }
0x1b: {  	_ =	swait.ge [sflag:s18], $0x800  }
0x1c: {  	[sflag:s18] =	ssyncset.done $0x0  }
0x1d: {  	[sflag:s18] =	ssyncadd.s32 $0xFFFFF800  }
.LBB2_1:
0x1e: {  	[tilespmem:s4], [sflag:$0xA] =	stream.linear.gather [hbm4b:s5+s4], $0x1900, $0x38;
	[tilespmem:$0x19C00] =	vst v63  }
0x1f: {  	_ =	swait.ge [sflag:s10], $0x1900  }
.Ltmp2:
0x20: {  	[sflag:s10] =	ssyncset.done $0x0;
	(pc) =	sbr.rel .LBB2_2-.Ltmp2, $4  }
0x21: {  	[sflag:s10] =	ssyncadd.s32 $0xFFFFE700  }
0x22: {  	[tilespmem:s12], [sflag:$0x1] =	stream.indirect.gather [hbm4b:s1+s11], $0x80, s4, s11, $0xb8;
	[tilespmem:$0x19C00] =	vst v63  }
0x23: {  	s20 =	simm.s32 $0x100;
	s21 =	smov.u32 s9;
	s22 =	simm.s32 $0x0  }
0x24: {  	[tilespmem:s13], [sflag:$0x2] =	stream.indirect.gather [hbm4b:s1+s11], $0x80, s11, s11, $0xb8;
	[tilespmem:$0x19C00] =	vst v63  }
.LBB2_4:
0x25: {  	s25 =	sshrl.u32 s25, $0x2  }
0x26: {  	s24 =	sadd.s32 $0x1, s24;
	s25 =	sadd.s32 $0x1C00, s25  }
0x27: {  	[tilespmem:s25], [sflag:s24] =	stream.indirect.gather [hbm4b:s1+s11], $0x80, s20, s11, $0xb8;
	[tilespmem:$0x19C00] =	vst v63  }
.LBB2_5:
0x28: {  	s23 =	sshrl.u32 s23, $0x9  }
0x29: {  	s23 =	sand.u32 $0x7F, s23  }
0x2a: {  	s23 =	smul.u32 $0x3, s23;
	_ =	sdelay $0x1  }
0x2b: {  	s23 =	ssub.s32 s22, s23  }
0x2c: {  	s23 =	sand.u32 $0xFF, s23  }
0x2d: {  	s24 =	sadd.s32 $0x1, s23  }
0x2e: {  	_ =	swait.ge [sflag:s24], $0x4000  }
0x2f: {  	p0 =	slt.u32 s22, $0x3;
	[sflag:s24] =	ssyncset.done $0x0  }
0x30: {  	[sflag:s24] =	ssyncadd.s32 $0xFFFFC000;
	s24 =	sadd.s32 @!p0 $0x7, s23  }
0x31: {  	_ =	swait.ge @!p0 [sflag:s24], $0x800  }
0x32: {  	s22 =	sadd.s32 $0x1, s22;
	[sflag:s24] =	ssyncset.done @!p0 $0x0  }
0x33: {  	[sflag:s24] =	ssyncadd.s32 @!p0 $0xFFFFF800;
	p0 =	sne.s32 s22, $0x32  }
.Ltmp3:
0x34: {  	_ = 	snop;
	(pc) =	sbr.rel @!p0 .LBB2_6-.Ltmp3, $4  }
0x35: {  	_ = 	snop  }
0x36: {  	s21 =	sadd.s32 $0x800, s21;
	s20 =	sadd.s32 $0x80, s20;
	s25 =	sshll.u32 s23, $0xE  }
0x37: {  	s26 =	sor.u32 $0x1C00, s25;
	s31 =	sadd.s32 s25, s6;
	s23 =	sadd.s32 $0x4, s23  }
0x38: {  	[spmem:s31] =	stream.linear.scatter [tilespmem:s26], [sflag:s23], $0x4000, $0x38;
	[tilespmem:$0x19C00] =	vst v63  }
.LBB2_2:
0x39: {  	s23 =	smul.u32 $0xAB, s22;
	_ =	sdelay $0x1  }
0x3a: {  	s24 =	sadd.s32 $0x156, s23  }
0x3b: {  	s24 =	sshrl.u32 s24, $0x9  }
0x3c: {  	s24 =	sand.u32 $0x7F, s24  }
0x3d: {  	p0 =	sne.s32 s22, $0x0;
	s24 =	smul.u32 $0x3, s24  }
.Ltmp4:
0x3e: {  	_ = 	snop;
	(pc) =	sbr.rel @!p0 .LBB2_4-.Ltmp4, $4  }
0x3f: {  	s24 =	ssub.s32 s22, s24  }
0x40: {  	s24 =	sadd.s32 $0x2, s24  }
0x41: {  	s24 =	sand.u32 $0xFF, s24  }
0x42: {  	s25 =	sshll.u32 s24, $0x10  }
0x43: {  	s26 =	sadd.s32 $0x4, s24;
	s31 =	sshll.u32 s0, $0x6;
	p0 =	sgt.u32 s22, $0x2F  }
.Ltmp5:
0x44: {  	s28 =	sshrl.u32 s25, $0x2;
	_ =	swait.ge [sflag:s26], $0x4000;
	(pc) =	sbr.rel @p0 .LBB2_5-.Ltmp5, $4  }
.Ltmp6:
0x45: {  	s29 =	sand.u32 $0x1FFFF800, s21;
	[sflag:s26] =	ssyncset.done $0x0;
	(pc) =	sbr.rel @!p0 .LBB2_4-.Ltmp6, $4  }
0x46: {  	s28 =	sadd.s32 s28, s6;
	[sflag:s26] =	ssyncadd.s32 $0xFFFFC000;
	s26 =	sadd.s32 s31, s24  }
0x47: {  	s29 =	sadd.s32 s3, s29;
	s28 =	sshrl.u32 s28, $0x3;
	s26 =	sadd.s32 $0x1C07, s26  }
0x48: {  	[hbm:s29], [sflag:s26] =	dma.local [spmem:s28], $0x800  }
0x49: {  	_ = 	snop  }
.LBB2_7:
0x4a: {  	_ =	sfence.sel $0x180000  }
0x4b: {  	[bflag:$0x0] =	sbarrier.arrive $0xFFFF  }
0x4c: {  	p0 =	sne.s32 s0, $0x0;
	_ =	strace $0x90000047  }
0x4d: {  	s0 =	sadd.s32 @!p0 $0x100000, s2;
	[bflag:$0x2] =	sbarrier.arrive $0xFFFF  }
0x4e: {  	[sflag:s0] =	ssyncadd.tile.s32 @!p0 $0x1;
	_ =	shalt  }
.Lfunc_end2:
_tile_overlayer_lowered:
.L_overlay_start_2:
0x4f: {  	(tag) =	ssettag $0x2  }
0x50: {  	s0 =	rddreg [dreg:$0x0];
	s2 =	stileid.u32  }
0x51: {  	s1 =	rddreg [dreg:$0x1];
	p0 =	sne.s32 s2, $0x0  }
0x52: {  	s3 =	rddreg [dreg:$0x2];
	[bflag:$0x3] =	sbarrier.arrive $0xFFFF;
	s2 =	simm.s32 @!p0 $0x1C0A  }
0x53: {  	[timem:s3], [sflag:s2] =	dma.local @!p0 [hbm:s0], s1  }
0x54: {  	s0 =	simm.s32 @!p0 $0xA  }
0x55: {  	_ =	swait.ge @!p0 [sflag:s0], s1  }
0x56: {  	s1 =	ssub.s32 @!p0 $0x0, s1;
	[sflag:s0] =	ssyncset.done @!p0 $0x0  }
0x57: {  	[sflag:s0] =	ssyncadd.s32 @!p0 s1  }
0x58: {  	[bflag:$0x3] =	sbarrier.arrive $0xFFFF  }
0x59: {  	_ =	shalt  }

</sc_bundles>
